<compile_context>
chip_gen: v7x
topology: tpu7x:2x2x1
jax: 0.10.2.dev20260603
libtpu: 0.0.44.dev20260713+nightly
codegen_flags: <defaults>
</compile_context>

<pallas_src>
import functools

import jax
import jax.numpy as jnp
from jax import lax
from jax.experimental import pallas as pl
from jax.experimental.pallas import tpu as pltpu
from jax.experimental.pallas import tpu_sc as plsc

CELL_SIDE = 0.5
N_GRID = 6
N_BINS = N_GRID * N_GRID
GRID8 = 8
N_PAD = GRID8 * GRID8
N_AGENTS = 4096
HIDDEN = 128

NUM_CORES = 2
NUM_SUBCORES = 16
NUM_WORKERS = NUM_CORES * NUM_SUBCORES
ROWS_PER_WORKER = N_AGENTS // NUM_WORKERS
LANES = 16
N_CHUNKS = N_AGENTS // LANES
HIST_WORDS = ROWS_PER_WORKER * N_PAD
SELF_CELL8 = (N_GRID // 2 + 1) * GRID8 + N_GRID // 2 + 1
A_PER_PASS = 4
LOOP_UNROLL = 2


def _occupancy_sc(xs, ys):
  mesh = plsc.VectorSubcoreMesh(
      core_axis_name="c", subcore_axis_name="s",
      num_cores=NUM_CORES, num_subcores=NUM_SUBCORES)

  @functools.partial(
      pl.kernel,
      out_type=jax.ShapeDtypeStruct((N_AGENTS * N_PAD,), jnp.float32),
      mesh=mesh,
      compiler_params=pltpu.CompilerParams(needs_layout_passes=False),
      scratch_types=[
          pltpu.VMEM((N_AGENTS,), jnp.float32),
          pltpu.VMEM((N_AGENTS,), jnp.float32),
          pltpu.VMEM((HIST_WORDS,), jnp.float32),
      ],
  )
  def occ_kernel(xs_hbm, ys_hbm, out_hbm, xs_v, ys_v, hist_v):
    wid = lax.axis_index("s") * NUM_CORES + lax.axis_index("c")
    base = wid * ROWS_PER_WORKER

    pltpu.sync_copy(xs_hbm, xs_v)
    pltpu.sync_copy(ys_hbm, ys_v)

    inv_cell = 1.0 / CELL_SIDE
    shift = float(N_GRID) / 2.0 + 1.0

    def scale_body(c, _):
      s = pl.ds(c * LANES, LANES)
      xs_v[s] = xs_v[s] * inv_cell
      ys_v[s] = ys_v[s] * inv_cell
      return 0
    lax.fori_loop(0, N_CHUNKS, scale_body, 0)

    zeros16 = jnp.zeros((LANES,), jnp.float32)
    ones16 = jnp.ones((LANES,), jnp.float32)
    top = float(GRID8 - 1)

    def agent_body(ap, _):
      li0 = ap * A_PER_PASS
      axs, ays, rows = [], [], []
      for a in range(A_PER_PASS):
        i_vec = jnp.full((LANES,), base + li0 + a, jnp.int32)
        axs.append(plsc.load_gather(xs_v, [i_vec]) - shift)
        ays.append(plsc.load_gather(ys_v, [i_vec]) - shift)
        rows.append(jnp.full((LANES,), (li0 + a) * N_PAD, jnp.int32))
      row0 = li0 * N_PAD

      for k in range(A_PER_PASS * N_PAD // LANES):
        hist_v[pl.ds(row0 + k * LANES, LANES)] = zeros16

      @plsc.parallel_loop(0, N_CHUNKS, unroll=LOOP_UNROLL)
      def _(c):
        s = pl.ds(c * LANES, LANES)
        xj = xs_v[s]
        yj = ys_v[s]
        for a in range(A_PER_PASS):
          px = jnp.clip(xj - axs[a], 0.0, top).astype(jnp.int32)
          py = jnp.clip(yj - ays[a], 0.0, top).astype(jnp.int32)
          plsc.addupdate_scatter(
              hist_v, [rows[a] + px * GRID8 + py], ones16)

      return 0

    lax.fori_loop(0, ROWS_PER_WORKER // A_PER_PASS, agent_body, 0)

    pltpu.sync_copy(hist_v, out_hbm.at[pl.ds(base * N_PAD, HIST_WORDS)])

  return occ_kernel(xs, ys)


def _linear_tc(occ, w64, b2):
  def body(occ_ref, wt_ref, b_ref, out_ref):
    acc = jnp.dot(occ_ref[...], wt_ref[...],
                  preferred_element_type=jnp.float32)
    out_ref[...] = acc + (b_ref[...] - wt_ref[SELF_CELL8:SELF_CELL8 + 1, :])

  return pl.pallas_call(
      body,
      out_shape=jax.ShapeDtypeStruct((N_AGENTS, HIDDEN), jnp.float32),
  )(occ, w64, b2)


@jax.jit
def kernel(hidden_in, cell_in, obs, W, b):
  del hidden_in, cell_in
  xs = obs[:, 0]
  ys = obs[:, 1]
  occ = _occupancy_sc(xs, ys).reshape(N_AGENTS, N_PAD)
  cells = jnp.arange(N_BINS)
  dest = (cells // N_GRID + 1) * GRID8 + cells % N_GRID + 1
  w64 = jnp.zeros((N_PAD, HIDDEN), jnp.float32).at[dest].set(W.T)
  b2 = b.reshape(1, HIDDEN)
  return _linear_tc(occ, w64, b2)

# --- scband reference (transcript-rebuilt; emitter-appended) ---
"""Pipeline reference for scband-occupancy-pooling-25348896981747 (READ-ONLY COPY).

The authoritative reference and input builder live on the scoring server;
editing this copy changes nothing except your own understanding.
"""

import jax, jax.numpy as jnp
import numpy as np

CELL_SIDE = 0.5
N_GRID = 6
HIDDEN = 128
N_AGENTS = 4096


def setup_inputs(seed: int = 0) -> dict:
    key = jax.random.key(seed)
    k1, k2, k3 = jax.random.split(key, 3)
    obs = jax.random.normal(k1, (N_AGENTS, 2), dtype=jnp.float32)
    hidden_in = jnp.zeros((N_AGENTS, HIDDEN), dtype=jnp.float32)
    cell_in = jnp.zeros((N_AGENTS, HIDDEN), dtype=jnp.float32)
    # Linear(n*n -> hidden_dim) parameters (torch Linear: y = x @ W.T + b)
    W = jax.random.normal(k2, (HIDDEN, N_GRID * N_GRID), dtype=jnp.float32) * (1.0 / np.sqrt(N_GRID * N_GRID))
    b = jax.random.normal(k3, (HIDDEN,), dtype=jnp.float32) * 0.01
    return {"hidden_in": hidden_in, "cell_in": cell_in, "obs": obs, "W": W, "b": b}


def _occupancies(obs):
    # Vectorized, faithful version of the per-agent python loop:
    # for each agent i, count how many OTHER (non-NaN) agents fall in each
    # cell of an n x n grid of side cell_side centered on agent i.
    N = obs.shape[0]
    rel = (obs[None, :, :] - obs[:, None, :]) / CELL_SIDE + N_GRID / 2.0  # [N, N, 2]
    finite = jnp.all(jnp.logical_not(jnp.isnan(obs)), axis=-1)  # [N] other-agent nan mask
    in_range = jnp.all((rel >= 0) & (rel < N_GRID), axis=-1)  # [N, N]
    not_self = jnp.logical_not(jnp.eye(N, dtype=bool))  # one_cold(i, n)
    valid = in_range & not_self & finite[None, :] & finite[:, None]
    oij = jax.lax.stop_gradient(rel).astype(jnp.int32)  # .long() trunc == floor for rel >= 0
    cell = oij[:, :, 0] * N_GRID + oij[:, :, 1]  # oi = oij[:,0]*n + oij[:,1]
    cell_safe = jnp.where(valid, cell, 0)
    w = valid.astype(jnp.float32)  # other_values == ones, unit_dim == 1
    rows = jnp.broadcast_to(jnp.arange(N)[:, None], (N, N))
    occ = jnp.zeros((N, N_GRID * N_GRID), dtype=jnp.float32)
    occ = occ.at[rows.reshape(-1), cell_safe.reshape(-1)].add(w.reshape(-1))
    return occ  # [N, n*n]


def reference(hidden_in, cell_in, obs, W, b):
    # forward(_, __, obs): first two args are unused, matching the torch module
    occ = _occupancies(obs)
    return occ @ W.T + b

if __name__ == "__main__":
    import jax
    _d = setup_inputs()
    print(jax.jit(kernel)(*tuple(_d.values())))

</pallas_src>

<mosaic_0001>
#map = affine_map<(d0, d1) -> (0)>
module attributes {stable_mosaic.version = 14 : i64} {
  func.func @occ_kernel(%arg0: i32, %arg1: i32, %arg2: memref<4096xf32, #tpu.memory_space<hbm>>, %arg3: memref<4096xf32, #tpu.memory_space<hbm>>, %arg4: memref<262144xf32, #tpu.memory_space<hbm>>, %arg5: memref<4096xf32, #tpu.memory_space<vmem>>, %arg6: memref<4096xf32, #tpu.memory_space<vmem>>, %arg7: memref<8192xf32, #tpu.memory_space<vmem>>) attributes {dimension_semantics = [#tpu.dimension_semantics<core_parallel>, #tpu.dimension_semantics<subcore_parallel>], iteration_bounds = array<i64: 2, 16>, scalar_prefetch = 0 : i64, scratch_operands = 3 : i64, tpu.core_type = #tpu.core_type<sc_vector_subcore>, window_params = [{transform_indices = #map}, {transform_indices = #map}, {transform_indices = #map}]} {
    %mul3A = arith.constant 2 : i32
    %mul3A_0 = arith.muli %arg1, %mul3A : i32
    %add3A = arith.addi %mul3A_0, %arg0 : i32
    %mul3A_1 = arith.constant 128 : i32
    %mul3A_2 = arith.muli %add3A, %mul3A_1 : i32
    "tpu.region"() ({
      %run_scoped3A = tpu.sem_alloc : memref<!tpu.dma_semaphore, #tpu.memory_space<semaphore_mem>>
      tpu.enqueue_dma source(%arg2 : memref<4096xf32, #tpu.memory_space<hbm>>) target(%arg5 : memref<4096xf32, #tpu.memory_space<vmem>>) target_semaphore(%run_scoped3A : memref<!tpu.dma_semaphore, #tpu.memory_space<semaphore_mem>>)
      tpu.wait_dma2 semaphore(%run_scoped3A : memref<!tpu.dma_semaphore, #tpu.memory_space<semaphore_mem>>) src(%arg2 : memref<4096xf32, #tpu.memory_space<hbm>>) dst(%arg5 : memref<4096xf32, #tpu.memory_space<vmem>>)
      tpu.yield
    }) : () -> ()
    "tpu.region"() ({
      %run_scoped3A = tpu.sem_alloc : memref<!tpu.dma_semaphore, #tpu.memory_space<semaphore_mem>>
      tpu.enqueue_dma source(%arg3 : memref<4096xf32, #tpu.memory_space<hbm>>) target(%arg6 : memref<4096xf32, #tpu.memory_space<vmem>>) target_semaphore(%run_scoped3A : memref<!tpu.dma_semaphore, #tpu.memory_space<semaphore_mem>>)
      tpu.wait_dma2 semaphore(%run_scoped3A : memref<!tpu.dma_semaphore, #tpu.memory_space<semaphore_mem>>) src(%arg3 : memref<4096xf32, #tpu.memory_space<hbm>>) dst(%arg6 : memref<4096xf32, #tpu.memory_space<vmem>>)
      tpu.yield
    }) : () -> ()
    %scan3A = arith.constant 0 : i32
    %scan3A_3 = arith.constant 0 : i32
    %scan3A_4 = arith.constant 256 : i32
    %scan3A_5 = arith.addi %scan3A_3, %scan3A_4 : i32
    %scan3A_6 = arith.constant 1 : i32
    %scan3A_7 = scf.for %scan3A_21 = %scan3A_3 to %scan3A_5 step %scan3A_6 iter_args(%scan3A_22 = %scan3A) -> (i32)  : i32 {
      %mul3A_23 = arith.constant 16 : i32
      %mul3A_24 = arith.muli %scan3A_21, %mul3A_23 : i32
      %get3A = arith.index_cast %mul3A_24 : i32 to index
      %get3A_25 = tpu.vector_load %arg5[%get3A] {strides = array<i32>} : memref<4096xf32, #tpu.memory_space<vmem>>, vector<16xf32>,
      %mul3A_26 = arith.constant 2.000000e+00 : f32
      %mul3A_27 = vector.broadcast %mul3A_26 : f32 to vector<16xf32>
      %mul3A_28 = arith.mulf %get3A_25, %mul3A_27 : vector<16xf32>
      %swap3A = arith.index_cast %mul3A_24 : i32 to index
      %swap3A_29 = tpu.vector_load %arg5[%swap3A] {strides = array<i32>} : memref<4096xf32, #tpu.memory_space<vmem>>, vector<16xf32>,
      tpu.vector_store %arg5[%swap3A], %mul3A_28 {strides = array<i32>} : memref<4096xf32, #tpu.memory_space<vmem>>, vector<16xf32>,
      %get3A_30 = arith.index_cast %mul3A_24 : i32 to index
      %get3A_31 = tpu.vector_load %arg6[%get3A_30] {strides = array<i32>} : memref<4096xf32, #tpu.memory_space<vmem>>, vector<16xf32>,
      %mul3A_32 = arith.constant 2.000000e+00 : f32
      %mul3A_33 = vector.broadcast %mul3A_32 : f32 to vector<16xf32>
      %mul3A_34 = arith.mulf %get3A_31, %mul3A_33 : vector<16xf32>
      %swap3A_35 = arith.index_cast %mul3A_24 : i32 to index
      %swap3A_36 = tpu.vector_load %arg6[%swap3A_35] {strides = array<i32>} : memref<4096xf32, #tpu.memory_space<vmem>>, vector<16xf32>,
      tpu.vector_store %arg6[%swap3A_35], %mul3A_34 {strides = array<i32>} : memref<4096xf32, #tpu.memory_space<vmem>>, vector<16xf32>,
      %scan3A_37 = arith.constant 0 : i32
      scf.yield %scan3A_37 : i32
    }
    %scan3A_8 = arith.constant 256 : i32
    %broadcast_in_dim3A = arith.constant 0.000000e+00 : f32
    %broadcast_in_dim3A_9 = vector.broadcast %broadcast_in_dim3A : f32 to vector<16xf32>
    %broadcast_in_dim3A_10 = arith.constant 1.000000e+00 : f32
    %broadcast_in_dim3A_11 = vector.broadcast %broadcast_in_dim3A_10 : f32 to vector<16xf32>
    %scan3A_12 = arith.constant 0 : i32
    %scan3A_13 = arith.constant 0 : i32
    %scan3A_14 = arith.constant 32 : i32
    %scan3A_15 = arith.addi %scan3A_13, %scan3A_14 : i32
    %scan3A_16 = arith.constant 1 : i32
    %scan3A_17 = scf.for %scan3A_21 = %scan3A_13 to %scan3A_15 step %scan3A_16 iter_args(%scan3A_22 = %scan3A_12) -> (i32)  : i32 {
      %mul3A_23 = arith.constant 4 : i32
      %mul3A_24 = arith.muli %scan3A_21, %mul3A_23 : i32
      %add3A_25 = arith.addi %mul3A_2, %mul3A_24 : i32
      %add3A_26 = arith.constant 0 : i32
      %add3A_27 = arith.addi %add3A_25, %add3A_26 : i32
      %broadcast_in_dim3A_28 = vector.broadcast %add3A_27 : i32 to vector<16xi32>
      %gather3A = tpu.vector_load_idx %arg5[%broadcast_in_dim3A_28] : memref<4096xf32, #tpu.memory_space<vmem>>[vector<16xi32>], vector<16xf32>,
      %sub3A = arith.constant 4.000000e+00 : f32
      %sub3A_29 = vector.broadcast %sub3A : f32 to vector<16xf32>
      %sub3A_30 = arith.subf %gather3A, %sub3A_29 : vector<16xf32>
      %gather3A_31 = tpu.vector_load_idx %arg6[%broadcast_in_dim3A_28] : memref<4096xf32, #tpu.memory_space<vmem>>[vector<16xi32>], vector<16xf32>,
      %sub3A_32 = arith.constant 4.000000e+00 : f32
      %sub3A_33 = vector.broadcast %sub3A_32 : f32 to vector<16xf32>
      %sub3A_34 = arith.subf %gather3A_31, %sub3A_33 : vector<16xf32>
      %add3A_35 = arith.constant 0 : i32
      %add3A_36 = arith.addi %mul3A_24, %add3A_35 : i32
      %mul3A_37 = arith.constant 64 : i32
      %mul3A_38 = arith.muli %add3A_36, %mul3A_37 : i32
      %broadcast_in_dim3A_39 = vector.broadcast %mul3A_38 : i32 to vector<16xi32>
      %add3A_40 = arith.addi %mul3A_2, %mul3A_24 : i32
      %add3A_41 = arith.constant 1 : i32
      %add3A_42 = arith.addi %add3A_40, %add3A_41 : i32
      %broadcast_in_dim3A_43 = vector.broadcast %add3A_42 : i32 to vector<16xi32>
      %gather3A_44 = tpu.vector_load_idx %arg5[%broadcast_in_dim3A_43] : memref<4096xf32, #tpu.memory_space<vmem>>[vector<16xi32>], vector<16xf32>,
      %sub3A_45 = arith.constant 4.000000e+00 : f32
      %sub3A_46 = vector.broadcast %sub3A_45 : f32 to vector<16xf32>
      %sub3A_47 = arith.subf %gather3A_44, %sub3A_46 : vector<16xf32>
      %gather3A_48 = tpu.vector_load_idx %arg6[%broadcast_in_dim3A_43] : memref<4096xf32, #tpu.memory_space<vmem>>[vector<16xi32>], vector<16xf32>,
      %sub3A_49 = arith.constant 4.000000e+00 : f32
      %sub3A_50 = vector.broadcast %sub3A_49 : f32 to vector<16xf32>
      %sub3A_51 = arith.subf %gather3A_48, %sub3A_50 : vector<16xf32>
      %add3A_52 = arith.constant 1 : i32
      %add3A_53 = arith.addi %mul3A_24, %add3A_52 : i32
      %mul3A_54 = arith.constant 64 : i32
      %mul3A_55 = arith.muli %add3A_53, %mul3A_54 : i32
      %broadcast_in_dim3A_56 = vector.broadcast %mul3A_55 : i32 to vector<16xi32>
      %add3A_57 = arith.addi %mul3A_2, %mul3A_24 : i32
      %add3A_58 = arith.constant 2 : i32
      %add3A_59 = arith.addi %add3A_57, %add3A_58 : i32
      %broadcast_in_dim3A_60 = vector.broadcast %add3A_59 : i32 to vector<16xi32>
      %gather3A_61 = tpu.vector_load_idx %arg5[%broadcast_in_dim3A_60] : memref<4096xf32, #tpu.memory_space<vmem>>[vector<16xi32>], vector<16xf32>,
      %sub3A_62 = arith.constant 4.000000e+00 : f32
      %sub3A_63 = vector.broadcast %sub3A_62 : f32 to vector<16xf32>
      %sub3A_64 = arith.subf %gather3A_61, %sub3A_63 : vector<16xf32>
      %gather3A_65 = tpu.vector_load_idx %arg6[%broadcast_in_dim3A_60] : memref<4096xf32, #tpu.memory_space<vmem>>[vector<16xi32>], vector<16xf32>,
      %sub3A_66 = arith.constant 4.000000e+00 : f32
      %sub3A_67 = vector.broadcast %sub3A_66 : f32 to vector<16xf32>
      %sub3A_68 = arith.subf %gather3A_65, %sub3A_67 : vector<16xf32>
      %add3A_69 = arith.constant 2 : i32
      %add3A_70 = arith.addi %mul3A_24, %add3A_69 : i32
      %mul3A_71 = arith.constant 64 : i32
      %mul3A_72 = arith.muli %add3A_70, %mul3A_71 : i32
      %broadcast_in_dim3A_73 = vector.broadcast %mul3A_72 : i32 to vector<16xi32>
      %add3A_74 = arith.addi %mul3A_2, %mul3A_24 : i32
      %add3A_75 = arith.constant 3 : i32
      %add3A_76 = arith.addi %add3A_74, %add3A_75 : i32
      %broadcast_in_dim3A_77 = vector.broadcast %add3A_76 : i32 to vector<16xi32>
      %gather3A_78 = tpu.vector_load_idx %arg5[%broadcast_in_dim3A_77] : memref<4096xf32, #tpu.memory_space<vmem>>[vector<16xi32>], vector<16xf32>,
      %sub3A_79 = arith.constant 4.000000e+00 : f32
      %sub3A_80 = vector.broadcast %sub3A_79 : f32 to vector<16xf32>
      %sub3A_81 = arith.subf %gather3A_78, %sub3A_80 : vector<16xf32>
      %gather3A_82 = tpu.vector_load_idx %arg6[%broadcast_in_dim3A_77] : memref<4096xf32, #tpu.memory_space<vmem>>[vector<16xi32>], vector<16xf32>,
      %sub3A_83 = arith.constant 4.000000e+00 : f32
      %sub3A_84 = vector.broadcast %sub3A_83 : f32 to vector<16xf32>
      %sub3A_85 = arith.subf %gather3A_82, %sub3A_84 : vector<16xf32>
      %add3A_86 = arith.constant 3 : i32
      %add3A_87 = arith.addi %mul3A_24, %add3A_86 : i32
      %mul3A_88 = arith.constant 64 : i32
      %mul3A_89 = arith.muli %add3A_87, %mul3A_88 : i32
      %broadcast_in_dim3A_90 = vector.broadcast %mul3A_89 : i32 to vector<16xi32>
      %mul3A_91 = arith.constant 64 : i32
      %mul3A_92 = arith.muli %mul3A_24, %mul3A_91 : i32
      %add3A_93 = arith.constant 0 : i32
      %add3A_94 = arith.addi %mul3A_92, %add3A_93 : i32
      %swap3A = arith.index_cast %add3A_94 : i32 to index
      %swap3A_95 = tpu.vector_load %arg7[%swap3A] {strides = array<i32>} : memref<8192xf32, #tpu.memory_space<vmem>>, vector<16xf32>,
      tpu.vector_store %arg7[%swap3A], %broadcast_in_dim3A_9 {strides = array<i32>} : memref<8192xf32, #tpu.memory_space<vmem>>, vector<16xf32>,
      %add3A_96 = arith.constant 16 : i32
      %add3A_97 = arith.addi %mul3A_92, %add3A_96 : i32
      %swap3A_98 = arith.index_cast %add3A_97 : i32 to index
      %swap3A_99 = tpu.vector_load %arg7[%swap3A_98] {strides = array<i32>} : memref<8192xf32, #tpu.memory_space<vmem>>, vector<16xf32>,
      tpu.vector_store %arg7[%swap3A_98], %broadcast_in_dim3A_9 {strides = array<i32>} : memref<8192xf32, #tpu.memory_space<vmem>>, vector<16xf32>,
      %add3A_100 = arith.constant 32 : i32
      %add3A_101 = arith.addi %mul3A_92, %add3A_100 : i32
      %swap3A_102 = arith.index_cast %add3A_101 : i32 to index
      %swap3A_103 = tpu.vector_load %arg7[%swap3A_102] {strides = array<i32>} : memref<8192xf32, #tpu.memory_space<vmem>>, vector<16xf32>,
      tpu.vector_store %arg7[%swap3A_102], %broadcast_in_dim3A_9 {strides = array<i32>} : memref<8192xf32, #tpu.memory_space<vmem>>, vector<16xf32>,
      %add3A_104 = arith.constant 48 : i32
      %add3A_105 = arith.addi %mul3A_92, %add3A_104 : i32
      %swap3A_106 = arith.index_cast %add3A_105 : i32 to index
      %swap3A_107 = tpu.vector_load %arg7[%swap3A_106] {strides = array<i32>} : memref<8192xf32, #tpu.memory_space<vmem>>, vector<16xf32>,
      tpu.vector_store %arg7[%swap3A_106], %broadcast_in_dim3A_9 {strides = array<i32>} : memref<8192xf32, #tpu.memory_space<vmem>>, vector<16xf32>,
      %add3A_108 = arith.constant 64 : i32
      %add3A_109 = arith.addi %mul3A_92, %add3A_108 : i32
      %swap3A_110 = arith.index_cast %add3A_109 : i32 to index
      %swap3A_111 = tpu.vector_load %arg7[%swap3A_110] {strides = array<i32>} : memref<8192xf32, #tpu.memory_space<vmem>>, vector<16xf32>,
      tpu.vector_store %arg7[%swap3A_110], %broadcast_in_dim3A_9 {strides = array<i32>} : memref<8192xf32, #tpu.memory_space<vmem>>, vector<16xf32>,
      %add3A_112 = arith.constant 80 : i32
      %add3A_113 = arith.addi %mul3A_92, %add3A_112 : i32
      %swap3A_114 = arith.index_cast %add3A_113 : i32 to index
      %swap3A_115 = tpu.vector_load %arg7[%swap3A_114] {strides = array<i32>} : memref<8192xf32, #tpu.memory_space<vmem>>, vector<16xf32>,
      tpu.vector_store %arg7[%swap3A_114], %broadcast_in_dim3A_9 {strides = array<i32>} : memref<8192xf32, #tpu.memory_space<vmem>>, vector<16xf32>,
      %add3A_116 = arith.constant 96 : i32
      %add3A_117 = arith.addi %mul3A_92, %add3A_116 : i32
      %swap3A_118 = arith.index_cast %add3A_117 : i32 to index
      %swap3A_119 = tpu.vector_load %arg7[%swap3A_118] {strides = array<i32>} : memref<8192xf32, #tpu.memory_space<vmem>>, vector<16xf32>,
      tpu.vector_store %arg7[%swap3A_118], %broadcast_in_dim3A_9 {strides = array<i32>} : memref<8192xf32, #tpu.memory_space<vmem>>, vector<16xf32>,
      %add3A_120 = arith.constant 112 : i32
      %add3A_121 = arith.addi %mul3A_92, %add3A_120 : i32
      %swap3A_122 = arith.index_cast %add3A_121 : i32 to index
      %swap3A_123 = tpu.vector_load %arg7[%swap3A_122] {strides = array<i32>} : memref<8192xf32, #tpu.memory_space<vmem>>, vector<16xf32>,
      tpu.vector_store %arg7[%swap3A_122], %broadcast_in_dim3A_9 {strides = array<i32>} : memref<8192xf32, #tpu.memory_space<vmem>>, vector<16xf32>,
      %add3A_124 = arith.constant 128 : i32
      %add3A_125 = arith.addi %mul3A_92, %add3A_124 : i32
      %swap3A_126 = arith.index_cast %add3A_125 : i32 to index
      %swap3A_127 = tpu.vector_load %arg7[%swap3A_126] {strides = array<i32>} : memref<8192xf32, #tpu.memory_space<vmem>>, vector<16xf32>,
      tpu.vector_store %arg7[%swap3A_126], %broadcast_in_dim3A_9 {strides = array<i32>} : memref<8192xf32, #tpu.memory_space<vmem>>, vector<16xf32>,
      %add3A_128 = arith.constant 144 : i32
      %add3A_129 = arith.addi %mul3A_92, %add3A_128 : i32
      %swap3A_130 = arith.index_cast %add3A_129 : i32 to index
      %swap3A_131 = tpu.vector_load %arg7[%swap3A_130] {strides = array<i32>} : memref<8192xf32, #tpu.memory_space<vmem>>, vector<16xf32>,
      tpu.vector_store %arg7[%swap3A_130], %broadcast_in_dim3A_9 {strides = array<i32>} : memref<8192xf32, #tpu.memory_space<vmem>>, vector<16xf32>,
      %add3A_132 = arith.constant 160 : i32
      %add3A_133 = arith.addi %mul3A_92, %add3A_132 : i32
      %swap3A_134 = arith.index_cast %add3A_133 : i32 to index
      %swap3A_135 = tpu.vector_load %arg7[%swap3A_134] {strides = array<i32>} : memref<8192xf32, #tpu.memory_space<vmem>>, vector<16xf32>,
      tpu.vector_store %arg7[%swap3A_134], %broadcast_in_dim3A_9 {strides = array<i32>} : memref<8192xf32, #tpu.memory_space<vmem>>, vector<16xf32>,
      %add3A_136 = arith.constant 176 : i32
      %add3A_137 = arith.addi %mul3A_92, %add3A_136 : i32
      %swap3A_138 = arith.index_cast %add3A_137 : i32 to index
      %swap3A_139 = tpu.vector_load %arg7[%swap3A_138] {strides = array<i32>} : memref<8192xf32, #tpu.memory_space<vmem>>, vector<16xf32>,
      tpu.vector_store %arg7[%swap3A_138], %broadcast_in_dim3A_9 {strides = array<i32>} : memref<8192xf32, #tpu.memory_space<vmem>>, vector<16xf32>,
      %add3A_140 = arith.constant 192 : i32
      %add3A_141 = arith.addi %mul3A_92, %add3A_140 : i32
      %swap3A_142 = arith.index_cast %add3A_141 : i32 to index
      %swap3A_143 = tpu.vector_load %arg7[%swap3A_142] {strides = array<i32>} : memref<8192xf32, #tpu.memory_space<vmem>>, vector<16xf32>,
      tpu.vector_store %arg7[%swap3A_142], %broadcast_in_dim3A_9 {strides = array<i32>} : memref<8192xf32, #tpu.memory_space<vmem>>, vector<16xf32>,
      %add3A_144 = arith.constant 208 : i32
      %add3A_145 = arith.addi %mul3A_92, %add3A_144 : i32
      %swap3A_146 = arith.index_cast %add3A_145 : i32 to index
      %swap3A_147 = tpu.vector_load %arg7[%swap3A_146] {strides = array<i32>} : memref<8192xf32, #tpu.memory_space<vmem>>, vector<16xf32>,
      tpu.vector_store %arg7[%swap3A_146], %broadcast_in_dim3A_9 {strides = array<i32>} : memref<8192xf32, #tpu.memory_space<vmem>>, vector<16xf32>,
      %add3A_148 = arith.constant 224 : i32
      %add3A_149 = arith.addi %mul3A_92, %add3A_148 : i32
      %swap3A_150 = arith.index_cast %add3A_149 : i32 to index
      %swap3A_151 = tpu.vector_load %arg7[%swap3A_150] {strides = array<i32>} : memref<8192xf32, #tpu.memory_space<vmem>>, vector<16xf32>,
      tpu.vector_store %arg7[%swap3A_150], %broadcast_in_dim3A_9 {strides = array<i32>} : memref<8192xf32, #tpu.memory_space<vmem>>, vector<16xf32>,
      %add3A_152 = arith.constant 240 : i32
      %add3A_153 = arith.addi %mul3A_92, %add3A_152 : i32
      %swap3A_154 = arith.index_cast %add3A_153 : i32 to index
      %swap3A_155 = tpu.vector_load %arg7[%swap3A_154] {strides = array<i32>} : memref<8192xf32, #tpu.memory_space<vmem>>, vector<16xf32>,
      tpu.vector_store %arg7[%swap3A_154], %broadcast_in_dim3A_9 {strides = array<i32>} : memref<8192xf32, #tpu.memory_space<vmem>>, vector<16xf32>,
      %parallel_loop3A = arith.constant 0 : i32
      %parallel_loop3A_156 = arith.constant 256 : i32
      %parallel_loop3A_157 = arith.constant 1 : i32
      scf.for %parallel_loop3A_159 = %parallel_loop3A to %parallel_loop3A_156 step %parallel_loop3A_157  : i32 {
        %parallel_loop3A_160 = arith.constant 16 : i32
        %parallel_loop3A_161 = arith.muli %parallel_loop3A_159, %parallel_loop3A_160 : i32
        %parallel_loop3A_162 = arith.index_cast %parallel_loop3A_161 : i32 to index
        %parallel_loop3A_163 = tpu.vector_load %arg5[%parallel_loop3A_162] {strides = array<i32>} : memref<4096xf32, #tpu.memory_space<vmem>>, vector<16xf32>,
        %parallel_loop3A_164 = arith.index_cast %parallel_loop3A_161 : i32 to index
        %parallel_loop3A_165 = tpu.vector_load %arg6[%parallel_loop3A_164] {strides = array<i32>} : memref<4096xf32, #tpu.memory_space<vmem>>, vector<16xf32>,
        %parallel_loop3A_166 = arith.subf %parallel_loop3A_163, %sub3A_30 : vector<16xf32>
        %parallel_loop3A_167 = arith.constant 0.000000e+00 : f32
        %parallel_loop3A_168 = arith.constant 7.000000e+00 : f32
        %parallel_loop3A_169 = vector.broadcast %parallel_loop3A_167 : f32 to vector<16xf32>
        %parallel_loop3A_170 = arith.maximumf %parallel_loop3A_169, %parallel_loop3A_166 : vector<16xf32>
        %parallel_loop3A_171 = vector.broadcast %parallel_loop3A_168 : f32 to vector<16xf32>
        %parallel_loop3A_172 = arith.minimumf %parallel_loop3A_171, %parallel_loop3A_170 : vector<16xf32>
        %parallel_loop3A_173 = arith.fptosi %parallel_loop3A_172 : vector<16xf32> to vector<16xi32>
        %parallel_loop3A_174 = arith.subf %parallel_loop3A_165, %sub3A_34 : vector<16xf32>
        %parallel_loop3A_175 = arith.constant 0.000000e+00 : f32
        %parallel_loop3A_176 = arith.constant 7.000000e+00 : f32
        %parallel_loop3A_177 = vector.broadcast %parallel_loop3A_175 : f32 to vector<16xf32>
        %parallel_loop3A_178 = arith.maximumf %parallel_loop3A_177, %parallel_loop3A_174 : vector<16xf32>
        %parallel_loop3A_179 = vector.broadcast %parallel_loop3A_176 : f32 to vector<16xf32>
        %parallel_loop3A_180 = arith.minimumf %parallel_loop3A_179, %parallel_loop3A_178 : vector<16xf32>
        %parallel_loop3A_181 = arith.fptosi %parallel_loop3A_180 : vector<16xf32> to vector<16xi32>
        %parallel_loop3A_182 = arith.constant 8 : i32
        %parallel_loop3A_183 = vector.broadcast %parallel_loop3A_182 : i32 to vector<16xi32>
        %parallel_loop3A_184 = arith.muli %parallel_loop3A_173, %parallel_loop3A_183 : vector<16xi32>
        %parallel_loop3A_185 = arith.addi %broadcast_in_dim3A_39, %parallel_loop3A_184 : vector<16xi32>
        %parallel_loop3A_186 = arith.addi %parallel_loop3A_185, %parallel_loop3A_181 : vector<16xi32>
        tpu.vector_store_idx %arg7[%parallel_loop3A_186], %broadcast_in_dim3A_11 {add = true} : memref<8192xf32, #tpu.memory_space<vmem>>[vector<16xi32>], vector<16xf32>,
        %parallel_loop3A_187 = arith.subf %parallel_loop3A_163, %sub3A_47 : vector<16xf32>
        %parallel_loop3A_188 = arith.constant 0.000000e+00 : f32
        %parallel_loop3A_189 = arith.constant 7.000000e+00 : f32
        %parallel_loop3A_190 = vector.broadcast %parallel_loop3A_188 : f32 to vector<16xf32>
        %parallel_loop3A_191 = arith.maximumf %parallel_loop3A_190, %parallel_loop3A_187 : vector<16xf32>
        %parallel_loop3A_192 = vector.broadcast %parallel_loop3A_189 : f32 to vector<16xf32>
        %parallel_loop3A_193 = arith.minimumf %parallel_loop3A_192, %parallel_loop3A_191 : vector<16xf32>
        %parallel_loop3A_194 = arith.fptosi %parallel_loop3A_193 : vector<16xf32> to vector<16xi32>
        %parallel_loop3A_195 = arith.subf %parallel_loop3A_165, %sub3A_51 : vector<16xf32>
        %parallel_loop3A_196 = arith.constant 0.000000e+00 : f32
        %parallel_loop3A_197 = arith.constant 7.000000e+00 : f32
        %parallel_loop3A_198 = vector.broadcast %parallel_loop3A_196 : f32 to vector<16xf32>
        %parallel_loop3A_199 = arith.maximumf %parallel_loop3A_198, %parallel_loop3A_195 : vector<16xf32>
        %parallel_loop3A_200 = vector.broadcast %parallel_loop3A_197 : f32 to vector<16xf32>
        %parallel_loop3A_201 = arith.minimumf %parallel_loop3A_200, %parallel_loop3A_199 : vector<16xf32>
        %parallel_loop3A_202 = arith.fptosi %parallel_loop3A_201 : vector<16xf32> to vector<16xi32>
        %parallel_loop3A_203 = arith.constant 8 : i32
        %parallel_loop3A_204 = vector.broadcast %parallel_loop3A_203 : i32 to vector<16xi32>
        %parallel_loop3A_205 = arith.muli %parallel_loop3A_194, %parallel_loop3A_204 : vector<16xi32>
        %parallel_loop3A_206 = arith.addi %broadcast_in_dim3A_56, %parallel_loop3A_205 : vector<16xi32>
        %parallel_loop3A_207 = arith.addi %parallel_loop3A_206, %parallel_loop3A_202 : vector<16xi32>
        tpu.vector_store_idx %arg7[%parallel_loop3A_207], %broadcast_in_dim3A_11 {add = true} : memref<8192xf32, #tpu.memory_space<vmem>>[vector<16xi32>], vector<16xf32>,
        %parallel_loop3A_208 = arith.subf %parallel_loop3A_163, %sub3A_64 : vector<16xf32>
        %parallel_loop3A_209 = arith.constant 0.000000e+00 : f32
        %parallel_loop3A_210 = arith.constant 7.000000e+00 : f32
        %parallel_loop3A_211 = vector.broadcast %parallel_loop3A_209 : f32 to vector<16xf32>
        %parallel_loop3A_212 = arith.maximumf %parallel_loop3A_211, %parallel_loop3A_208 : vector<16xf32>
        %parallel_loop3A_213 = vector.broadcast %parallel_loop3A_210 : f32 to vector<16xf32>
        %parallel_loop3A_214 = arith.minimumf %parallel_loop3A_213, %parallel_loop3A_212 : vector<16xf32>
        %parallel_loop3A_215 = arith.fptosi %parallel_loop3A_214 : vector<16xf32> to vector<16xi32>
        %parallel_loop3A_216 = arith.subf %parallel_loop3A_165, %sub3A_68 : vector<16xf32>
        %parallel_loop3A_217 = arith.constant 0.000000e+00 : f32
        %parallel_loop3A_218 = arith.constant 7.000000e+00 : f32
        %parallel_loop3A_219 = vector.broadcast %parallel_loop3A_217 : f32 to vector<16xf32>
        %parallel_loop3A_220 = arith.maximumf %parallel_loop3A_219, %parallel_loop3A_216 : vector<16xf32>
        %parallel_loop3A_221 = vector.broadcast %parallel_loop3A_218 : f32 to vector<16xf32>
        %parallel_loop3A_222 = arith.minimumf %parallel_loop3A_221, %parallel_loop3A_220 : vector<16xf32>
        %parallel_loop3A_223 = arith.fptosi %parallel_loop3A_222 : vector<16xf32> to vector<16xi32>
        %parallel_loop3A_224 = arith.constant 8 : i32
        %parallel_loop3A_225 = vector.broadcast %parallel_loop3A_224 : i32 to vector<16xi32>
        %parallel_loop3A_226 = arith.muli %parallel_loop3A_215, %parallel_loop3A_225 : vector<16xi32>
        %parallel_loop3A_227 = arith.addi %broadcast_in_dim3A_73, %parallel_loop3A_226 : vector<16xi32>
        %parallel_loop3A_228 = arith.addi %parallel_loop3A_227, %parallel_loop3A_223 : vector<16xi32>
        tpu.vector_store_idx %arg7[%parallel_loop3A_228], %broadcast_in_dim3A_11 {add = true} : memref<8192xf32, #tpu.memory_space<vmem>>[vector<16xi32>], vector<16xf32>,
        %parallel_loop3A_229 = arith.subf %parallel_loop3A_163, %sub3A_81 : vector<16xf32>
        %parallel_loop3A_230 = arith.constant 0.000000e+00 : f32
        %parallel_loop3A_231 = arith.constant 7.000000e+00 : f32
        %parallel_loop3A_232 = vector.broadcast %parallel_loop3A_230 : f32 to vector<16xf32>
        %parallel_loop3A_233 = arith.maximumf %parallel_loop3A_232, %parallel_loop3A_229 : vector<16xf32>
        %parallel_loop3A_234 = vector.broadcast %parallel_loop3A_231 : f32 to vector<16xf32>
        %parallel_loop3A_235 = arith.minimumf %parallel_loop3A_234, %parallel_loop3A_233 : vector<16xf32>
        %parallel_loop3A_236 = arith.fptosi %parallel_loop3A_235 : vector<16xf32> to vector<16xi32>
        %parallel_loop3A_237 = arith.subf %parallel_loop3A_165, %sub3A_85 : vector<16xf32>
        %parallel_loop3A_238 = arith.constant 0.000000e+00 : f32
        %parallel_loop3A_239 = arith.constant 7.000000e+00 : f32
        %parallel_loop3A_240 = vector.broadcast %parallel_loop3A_238 : f32 to vector<16xf32>
        %parallel_loop3A_241 = arith.maximumf %parallel_loop3A_240, %parallel_loop3A_237 : vector<16xf32>
        %parallel_loop3A_242 = vector.broadcast %parallel_loop3A_239 : f32 to vector<16xf32>
        %parallel_loop3A_243 = arith.minimumf %parallel_loop3A_242, %parallel_loop3A_241 : vector<16xf32>
        %parallel_loop3A_244 = arith.fptosi %parallel_loop3A_243 : vector<16xf32> to vector<16xi32>
        %parallel_loop3A_245 = arith.constant 8 : i32
        %parallel_loop3A_246 = vector.broadcast %parallel_loop3A_245 : i32 to vector<16xi32>
        %parallel_loop3A_247 = arith.muli %parallel_loop3A_236, %parallel_loop3A_246 : vector<16xi32>
        %parallel_loop3A_248 = arith.addi %broadcast_in_dim3A_90, %parallel_loop3A_247 : vector<16xi32>
        %parallel_loop3A_249 = arith.addi %parallel_loop3A_248, %parallel_loop3A_244 : vector<16xi32>
        tpu.vector_store_idx %arg7[%parallel_loop3A_249], %broadcast_in_dim3A_11 {add = true} : memref<8192xf32, #tpu.memory_space<vmem>>[vector<16xi32>], vector<16xf32>,
      } {sc.loop_unroll_factor = 2 : i64, sc.parallel_access}
      %scan3A_158 = arith.constant 0 : i32
      scf.yield %scan3A_158 : i32
    }
    %scan3A_18 = arith.constant 32 : i32
    %mul3A_19 = arith.constant 64 : i32
    %mul3A_20 = arith.muli %mul3A_2, %mul3A_19 : i32
    "tpu.region"() ({
      %run_scoped3A = tpu.sem_alloc : memref<!tpu.dma_semaphore, #tpu.memory_space<semaphore_mem>>
      %dma_start3A = tpu.memref_slice %arg4[%mul3A_20] : memref<262144xf32, #tpu.memory_space<hbm>> -> memref<8192xf32, #tpu.memory_space<hbm>>
      %dma_start3A_21 = tpu.memref_slice %arg4[%mul3A_20] : memref<262144xf32, #tpu.memory_space<hbm>> -> memref<8192xf32, #tpu.memory_space<hbm>>
      tpu.enqueue_dma source(%arg7 : memref<8192xf32, #tpu.memory_space<vmem>>) target(%dma_start3A_21 : memref<8192xf32, #tpu.memory_space<hbm>>) target_semaphore(%run_scoped3A : memref<!tpu.dma_semaphore, #tpu.memory_space<semaphore_mem>>)
      %dma_wait3A = tpu.memref_slice %arg4[%mul3A_20] : memref<262144xf32, #tpu.memory_space<hbm>> -> memref<8192xf32, #tpu.memory_space<hbm>>
      %dma_wait3A_22 = tpu.memref_slice %arg4[%mul3A_20] : memref<262144xf32, #tpu.memory_space<hbm>> -> memref<8192xf32, #tpu.memory_space<hbm>>
      tpu.wait_dma2 semaphore(%run_scoped3A : memref<!tpu.dma_semaphore, #tpu.memory_space<semaphore_mem>>) src(%arg7 : memref<8192xf32, #tpu.memory_space<vmem>>) dst(%dma_wait3A_22 : memref<8192xf32, #tpu.memory_space<hbm>>)
      tpu.yield
    }) : () -> ()
    return
  }
}

module attributes {stable_mosaic.version = 14 : i64} {
  func.func @body(%arg0: memref<4096x64xf32, #tpu.memory_space<vmem>>, %arg1: memref<64x128xf32, #tpu.memory_space<vmem>>, %arg2: memref<1x128xf32, #tpu.memory_space<vmem>>, %arg3: memref<4096x128xf32, #tpu.memory_space<vmem>>) attributes {dimension_semantics = [], scalar_prefetch = 0 : i64, scratch_operands = 0 : i64, tpu.core_type = #tpu.core_type<tc>} {
    %get3A = arith.constant 0 : index
    %get3A_0 = arith.constant 0 : index
    %get3A_1 = vector.load %arg0[%get3A, %get3A_0] : memref<4096x64xf32, #tpu.memory_space<vmem>>, vector<4096x64xf32>
    %get3A_2 = arith.constant 0 : index
    %get3A_3 = arith.constant 0 : index
    %get3A_4 = vector.load %arg1[%get3A_2, %get3A_3] : memref<64x128xf32, #tpu.memory_space<vmem>>, vector<64x128xf32>
    %dot_general3A = arith.constant dense<0.000000e+00> : vector<4096x128xf32>
    %dot_general3A_5 = tpu.matmul %get3A_1, %get3A_4, %dot_general3A {dimension_numbers = #tpu.dot_dimension_numbers<[1], [0], [0], [1], [0, 0, 1, 1], [], []>, transpose_lhs_hint = false} : vector<4096x64xf32>, vector<64x128xf32>, vector<4096x128xf32> -> vector<4096x128xf32>
    %get3A_6 = arith.constant 0 : index
    %get3A_7 = arith.constant 0 : index
    %get3A_8 = vector.load %arg2[%get3A_6, %get3A_7] : memref<1x128xf32, #tpu.memory_space<vmem>>, vector<1x128xf32>
    %get3A_9 = arith.constant 36 : index
    %get3A_10 = arith.constant 0 : index
    %get3A_11 = vector.load %arg1[%get3A_9, %get3A_10] : memref<64x128xf32, #tpu.memory_space<vmem>>, vector<1x128xf32>
    %sub3A = arith.subf %get3A_8, %get3A_11 : vector<1x128xf32>
    %add3A = vector.broadcast %sub3A : vector<1x128xf32> to vector<4096x128xf32>
    %add3A_12 = arith.addf %dot_general3A_5, %add3A : vector<4096x128xf32>
    %swap3A = arith.constant 0 : index
    %swap3A_13 = arith.constant 0 : index
    %swap3A_14 = vector.load %arg3[%swap3A, %swap3A_13] : memref<4096x128xf32, #tpu.memory_space<vmem>>, vector<4096x128xf32>
    tpu.vector_store %arg3[%swap3A, %swap3A_13], %add3A_12 {strides = array<i32>} : memref<4096x128xf32, #tpu.memory_space<vmem>>, vector<4096x128xf32>,
    return
  }
}

</mosaic_0001>

<sc_bundles>
// kernel: kernel.4.cloned.1.call-start
scs
__scs_entry_jumppad:
0x0: {  	(pc) =	sbr.rel $0x88, $3  }
0x1: {  	(tag) =	ssettag $0x0;
	lr =	simm.s32 $0x1  }
0x2: {  	[smem:$0x3F9E] =	sst lr;
	_ =	strace $0xD0000000  }
0x3: {  	_ = 	snop  }
0x4: {  	_ = 	snop  }
0x5: {  	_ = 	snop  }
0x6: {  	_ = 	snop  }
0x7: {  	_ = 	snop  }
__scs_overlays_trampoline_lowered:
0x8: {  	[smem:$0x3FAD] =	sst s0  }
0x9: {  	[smem:$0x3FAE] =	sst s1  }
0xa: {  	[smem:$0x3FAF] =	sst s2  }
0xb: {  	[smem:$0x3FB0] =	sst s3  }
0xc: {  	[smem:$0x3FB1] =	sst s4  }
0xd: {  	[smem:$0x3FB2] =	sst s5  }
0xe: {  	[smem:$0x3FB3] =	sst s6  }
0xf: {  	[smem:$0x3FB4] =	sst s7  }
0x10: {  	[smem:$0x3FB5] =	sst s8  }
0x11: {  	[smem:$0x3FB6] =	sst s9;
	s0 =	simm.s32 @!p0 $0x0  }
0x12: {  	s1 =	sld [smem:$0x3F9C];
	s0 =	simm.s32 @p0 $0x1  }
0x13: {  	[smem:$0x3FB7] =	sst s0;
	s0 =	simm.s32 @!p1 $0x0  }
0x14: {  	s2 =	sld [smem:$0x3F9B];
	s0 =	simm.s32 @p1 $0x1  }
0x15: {  	[smem:$0x3FB8] =	sst s0;
	s0 =	simm.s32 @!p2 $0x0  }
0x16: {  	s3 =	sld [smem:$0x3FDB];
	s0 =	simm.s32 @p2 $0x1  }
0x17: {  	s4 =	simm.s32 $0x1BF5;
	[smem:$0x3FBA] =	sst s0  }
0x18: {  	s0 =	sld [smem:$0x3F9D];
	_ =	swait.ge [sflag:s4], $0x0  }
0x19: {  	s7 =	sld [smem:$0x3F9E]  }
0x1a: {  	s8 =	sadd.s32 $0xFFFFE003, lr  }
0x1b: {  	s9 =	sadd.s32 $0xFFFFFEF7, lr;
	s5 =	simm.s32 $0xFFFFFFFF;
	p2 =	slt.u32 s8, $0xFFFFF086  }
0x1c: {  	p1 =	slt.u32 s9, $0xF7A;
	s5 =	simm.s32 @!p2 $0x0  }
0x1d: {  	s5 =	simm.s32 @p1 $0x1;
	p0 =	seq.s32 s7, s2  }
0x1e: {  	s7 =	smul.u32 @!p0 $0xF7A, s2;
	p2 =	seq.s32 @!p0 s5, $0x0  }
0x1f: {  	s9 =	smul.u32 $0xF7A, s1;
	s8 =	simm.s32 @!p0 $0x1BF5;
	p2 =	por !p2, p0  }
0x20: {  	[sflag:s8] =	ssyncset.s32 @!p0 $0xFFFFF086;
	s6 =	sadd.s32 @!p0 s3, s7;
	s7 =	simm.s32 @!p0 $0x108  }
0x21: {  	s3 =	sadd.s32 s3, s9;
	s6 =	sadd.s32 @!p0 $0x88, s6;
	s7 =	simm.s32 @p2 $0x1082  }
0x22: {  	[simem:s7], [sflag:s8] =	dma.local @!p0 [hbm:s6], $0xF7A  }
0x23: {  	s9 =	sor.u32 $0xD0000000, s2;
	s6 =	simm.s32 $0x108;
	_ =	swait.ge @!p0 [sflag:s8], $0x0  }
0x24: {  	s3 =	sadd.s32 $0x88, s3;
	s6 =	simm.s32 @!p1 $0x1082;
	[sflag:s4] =	ssyncset.s32 $0xFFFFF086  }
0x25: {  	[simem:s6], [sflag:s4] =	dma.local [hbm:s3], $0xF7A  }
0x26: {  	[smem:$0x3F9E] =	sst s1;
	(tag) =	ssettag s2;
	_ =	strace s9  }
0x27: {  	s1 =	sld [smem:$0x3FAE]  }
0x28: {  	s2 =	sld [smem:$0x3FAF]  }
0x29: {  	s4 =	sld [smem:$0x3FB1]  }
0x2a: {  	p0 =	seq.s32 s5, $0x0;
	s5 =	sld [smem:$0x3FB2]  }
0x2b: {  	s6 =	sld [smem:$0x3FB3]  }
0x2c: {  	s7 =	sld [smem:$0x3FB4]  }
0x2d: {  	s3 =	simm.s32 $0x108;
	s8 =	sld [smem:$0x3FB5]  }
0x2e: {  	s3 =	simm.s32 @!p0 $0x1082;
	s9 =	sld [smem:$0x3FB6]  }
0x2f: {  	lr =	sadd.s32 s0, s3;
	s0 =	sld [smem:$0x3FAD]  }
0x30: {  	s3 =	sld [smem:$0x3FB0]  }
0x31: {  	[smem:$0x3FB9] =	sst s10  }
0x32: {  	s10 =	sld [smem:$0x3FB7];
	_ =	sdelay $0x3  }
0x33: {  	p0 =	seq.s32 s10, $0x1;
	s10 =	sld [smem:$0x3FB9];
	_ =	sdelay $0x3  }
0x34: {  	[smem:$0x3FB9] =	sst s10  }
0x35: {  	s10 =	sld [smem:$0x3FB8];
	_ =	sdelay $0x3  }
0x36: {  	p1 =	seq.s32 s10, $0x1;
	s10 =	sld [smem:$0x3FB9];
	_ =	sdelay $0x3  }
0x37: {  	[smem:$0x3FB9] =	sst s10  }
0x38: {  	s10 =	sld [smem:$0x3FBA]  }
0x39: {  	_ = 	snop;
	(pc) =	sbr.ind lr, $3  }
0x3a: {  	_ = 	snop  }
0x3b: {  	_ = 	snop  }
0x3c: {  	p2 =	seq.s32 s10, $0x1;
	s10 =	sld [smem:$0x3FB9]  }
0x3d: {  	_ =	shalt  }
0x3e: {  	_ =	shalt  }
0x3f: {  	_ =	shalt  }
0x40: {  	_ =	shalt  }
0x41: {  	_ =	shalt  }
0x42: {  	_ =	shalt  }
0x43: {  	_ =	shalt  }
0x44: {  	_ =	shalt  }
0x45: {  	_ =	shalt  }
0x46: {  	_ =	shalt  }
0x47: {  	_ =	shalt  }
0x48: {  	_ =	shalt  }
0x49: {  	_ =	shalt  }
0x4a: {  	_ =	shalt  }
0x4b: {  	_ =	shalt  }
0x4c: {  	_ =	shalt  }
0x4d: {  	_ =	shalt  }
0x4e: {  	_ =	shalt  }
0x4f: {  	_ =	shalt  }
0x50: {  	_ =	shalt  }
0x51: {  	_ =	shalt  }
0x52: {  	_ =	shalt  }
0x53: {  	_ =	shalt  }
0x54: {  	_ =	shalt  }
0x55: {  	_ =	shalt  }
0x56: {  	_ =	shalt  }
0x57: {  	_ =	shalt  }
0x58: {  	_ =	shalt  }
0x59: {  	_ =	shalt  }
0x5a: {  	_ =	shalt  }
0x5b: {  	_ =	shalt  }
0x5c: {  	_ =	shalt  }
0x5d: {  	_ =	shalt  }
0x5e: {  	_ =	shalt  }
0x5f: {  	_ =	shalt  }
0x60: {  	_ =	shalt  }
0x61: {  	_ =	shalt  }
0x62: {  	_ =	shalt  }
0x63: {  	_ =	shalt  }
0x64: {  	_ =	shalt  }
0x65: {  	_ =	shalt  }
0x66: {  	_ =	shalt  }
0x67: {  	_ =	shalt  }
0x68: {  	_ =	shalt  }
0x69: {  	_ =	shalt  }
0x6a: {  	_ =	shalt  }
0x6b: {  	_ =	shalt  }
0x6c: {  	_ =	shalt  }
0x6d: {  	_ =	shalt  }
0x6e: {  	_ =	shalt  }
0x6f: {  	_ =	shalt  }
0x70: {  	_ =	shalt  }
0x71: {  	_ =	shalt  }
0x72: {  	_ =	shalt  }
0x73: {  	_ =	shalt  }
0x74: {  	_ =	shalt  }
0x75: {  	_ =	shalt  }
0x76: {  	_ =	shalt  }
0x77: {  	_ =	shalt  }
0x78: {  	_ =	shalt  }
0x79: {  	_ =	shalt  }
0x7a: {  	_ =	shalt  }
0x7b: {  	_ =	shalt  }
0x7c: {  	_ =	shalt  }
0x7d: {  	_ =	shalt  }
0x7e: {  	_ =	shalt  }
0x7f: {  	_ =	shalt  }
0x80: {  	_ =	shalt  }
0x81: {  	_ =	shalt  }
0x82: {  	_ =	shalt  }
0x83: {  	_ =	shalt  }
0x84: {  	_ =	shalt  }
0x85: {  	_ =	shalt  }
0x86: {  	_ =	shalt  }
0x87: {  	_ =	shalt  }
.Lfunc_end0:
.L_simem_size_0:
called_computation_lowered:
.L_overlay_start_0:
0x88: {  	s2 =	sld [smem:$0x3FD9]  }
0x89: {  	s3 =	sld [smem:$0x3FFE];
	_ =	sdelay $0x1  }
0x8a: {  	s1 =	srdreg.scid  }
0x8b: {  	s0 =	sand.u32 $0x1, s1  }
0x8c: {  	s17 =	sshll.u32 s0, $0xA;
	s2 =	sadd.s32 s3, s2  }
0x8d: {  	s2 =	sadd.s32 s2, s17  }
0x8e: {  	[smem:$0x3FC5] =	sst s2  }
0x8f: {  	_ = 	snop  }
0x90: {  	s2 =	sld [smem:$0x3FD0];
	(tm) =	ssettm $0x1  }
0x91: {  	s18 =	sld [smem:$0x3FFB];
	_ =	sdelay $0x3  }
0x92: {  	_ =	strace s18  }
0x93: {  	s3 =	sld [smem:$0x3FFC];
	_ =	sdelay $0x3  }
0x94: {  	_ =	strace s3  }
0x95: {  	s3 =	sld [smem:$0x3FFD];
	_ =	sdelay $0x3  }
0x96: {  	_ =	strace s3  }
0x97: {  	_ =	strace $0x8FFFFFFF  }
0x98: {  	s19 =	sld [smem:$0x3FDB];
	_ =	sdelay $0x1  }
0x99: {  	s4 =	simm.s32 $_scs_section_size  }
0x9a: {  	s5 =	simm.s32 $_size__tile_overlayer_lowered;
	s6 =	simm.s32 $_tile_overlayer_lowered  }
0x9b: {  	s22 =	simm.s32 $0x1BFF;
	s21 =	sshll.u32 s6, $0x1;
	s3 =	sadd.s32 s4, s19  }
0x9c: {  	s7 =	simm.s32 $0x0;
	s20 =	sshll.u32 s5, $0x1;
	s5 =	sadd.s32 s21, s3  }
0x9d: {  	[timem:s7], [sflag:s22] =	dma.local [hbm:s5], s20  }
0x9e: {  	_ =	swait.ge [sflag:s22], s20  }
0x9f: {  	s4 =	ssub.s32 $0x0, s20;
	[sflag:s22] =	ssyncset.done $0x0  }
0xa0: {  	[sflag:s22] =	ssyncadd.s32 s4;
	_ =	sdelay $0x1  }
0xa1: {  	s23 =	simm.s32 $0x1B8B  }
0xa2: {  	_ =	swait.ge [sflag:s23], $0x1  }
0xa3: {  	[sflag:s23] =	ssyncset.done $0x0  }
0xa4: {  	s25 =	simm.s32 $0x1B8E;
	s24 =	sld [smem:$0x3FFE];
	[sflag:s23] =	ssyncadd.s32 $0xFFFFFFFF  }
0xa5: {  	s26 =	simm.s32 $execute0_lowered;
	[smem:$0x3FD2] =	sst s25  }
0xa6: {  	s5 =	sshll.u32 s26, $0x1;
	_ =	strace $0x80000046;
	[dreg:$0x1] =	wrdreg $0xFFFFFFFF  }
0xa7: {  	s28 =	simm.s32 $_size_execute0_lowered;
	s3 =	sadd.s32 s3, s5;
	[dreg:$0x0] =	wrdreg $0x0  }
0xa8: {  	s5 =	sshll.u32 s28, $0x1;
	[dreg:$0x2] =	wrdreg s3  }
0xa9: {  	[dreg:$0x3] =	wrdreg s5  }
0xaa: {  	[dreg:$0x4] =	wrdreg $0xC0  }
0xab: {  	_ =	task [dreg:s7], $0x5FFFF  }
0xac: {  	[dreg:$0x1] =	wrdreg $0xFFFFFFFF  }
0xad: {  	[dreg:$0x0] =	wrdreg $0x60  }
0xae: {  	[dreg:$0x2] =	wrdreg s24  }
0xaf: {  	[dreg:$0x3] =	wrdreg s2  }
0xb0: {  	[dreg:$0x4] =	wrdreg $0x9  }
0xb1: {  	_ =	task.clear_ibuf [dreg:s7], $0x5FFFF;
	_ =	strace $0x90000046  }
0xb2: {  	s29 =	simm.s32 $0x9;
	_ =	strace $0x80000048  }
0xb3: {  	_ =	swait.ge [sflag:s29], $0x1  }
0xb4: {  	[sflag:s29] =	ssyncadd.s32 $0xFFFFFFFF  }
0xb5: {  	_ =	strace $0x90000048  }
0xb6: {  	_ =	sfence  }
0xb7: {  	s30 =	sld [smem:$0x0];
	_ =	sdelay $0x2  }
0xb8: {  	s31 =	sshll.u32 s1, $0xD;
	s1 =	sshrl.u32 s1, $0x2  }
0xb9: {  	s3 =	sand.u32 $0x4000, s31;
	s1 =	sadd.s32 s1, s30  }
0xba: {  	s0 =	sor.u32 s3, s0;
	s1 =	sshll.u32 s1, $0x11  }
0xbb: {  	s0 =	sor.u32 s1, s0  }
0xbc: {  	s0 =	sadd.s32 $0x8F2B, s0  }
0xbd: {  	[sflag:s0] =	ssyncadd.remote.s32 $0x1  }
0xbe: {  	_ =	sfence.sel $0xFFFF  }
0xbf: {  	[dreg:$0x0] =	wrdreg $0xFFFFFFFF;
	(pc) =	sbr.abs _section_cstart, $3  }
0xc0: {  	[dreg:$0x1] =	wrdreg $0xFFFFFFFF  }
0xc1: {  	_ =	task.clear_ibuf [dreg:s7], $0x2FFFF;
	_ =	strace $0x9FFFFFFF  }
0xc2: {  	(tm) =	ssettm $0x7FFFFFFF  }
0xc3: {  	_ =	shalt  }
tec
execute0_lowered:
.L_overlay_start_1:
0x0: {  	(tag) =	ssettag $0x1  }
0x1: {  	s4 =	rddreg [dreg:$0x0]  }
0x2: {  	s6 =	rddreg [dreg:$0x1]  }
0x3: {  	s0 =	rddreg [dreg:$0x2]  }
0x4: {  	s2 =	simm.s32 $0x0;
	s3 =	srdreg.scid;
	s1 =	stileid.u32  }
0x5: {  	s10 =	simm.s32 $0x2000;
	s11 =	simm.s32 $0x0;
	[smem:$0x7FF] =	sst s2  }
0x6: {  	s5 =	sand.u32 $0x1, s3;
	s3 =	sadd.s32 $0xA00, s4;
	s8 =	sshll.u32 s1, $0x1  }
0x7: {  	s4 =	sadd.s32 $0x800, s4;
	s7 =	ssub.s32 $0x2, s5;
	s8 =	sor.u32 s5, s8  }
0x8: {  	s9 =	sshrl.u32 s7, $0x1;
	s5 =	sshll.u32 s8, $0x7;
	s8 =	sshll.u32 s8, $0xA  }
0x9: {  	_ =	strace $0x80000047;
	s7 =	ssub.s32 s7, s9;
	s6 =	sadd.s32 s6, s8  }
0xa: {  	v0 =	vimm.f32 $0.0e+00;
	v1 =	vimm.f32 $1.000000000e+00;
	s8 =	simm.s32 $0x1;
	s9 =	simm.s32 $0x1000;
	s7 =	smax.u32 s7, $0x1  }
.LBB2_1:
0xb: {  	[tilespmem:s2], [sflag:$0x1] =	stream.linear.gather [hbm4b:s3+s2], $0x1000, $0x38;
	[tilespmem:$0x4000] =	vst v63  }
0xc: {  	_ =	swait.ge [sflag:s8], $0x1000  }
0xd: {  	[sflag:s8] =	ssyncset.done $0x0  }
0xe: {  	[sflag:s8] =	ssyncadd.s32 $0xFFFFF000  }
0xf: {  	[tilespmem:s9], [sflag:$0x1] =	stream.linear.gather [hbm4b:s4+s2], $0x1000, $0x38;
	[tilespmem:$0x4000] =	vst v63  }
0x10: {  	_ =	swait.ge [sflag:s8], $0x1000  }
0x11: {  	[sflag:s8] =	ssyncset.done $0x0  }
0x12: {  	s12 =	simm.s32 $0x0;
	[sflag:s8] =	ssyncadd.s32 $0xFFFFF000  }
0x13: {  	s13 =	simm.s32 $0x40;
	v2 =	vld [tilespmem:s12+$0x0]  }
.LBB2_2:
0x14: {  	p0 =	sne.s32 s13, $0x3FC0;
	v3 =	vld [tilespmem:s12+$0x1000];
	_ =	sdelay $0x2  }
.Ltmp0:
0x15: {  	(pc) =	sbr.rel @p0 .LBB2_2-.Ltmp0, $4  }
0x16: {  	v2 =	vadd.f32 v2, v2  }
0x17: {  	v3 =	vadd.f32 v3, v3  }
0x18: {  	s14 =	sshra.s32 s13, $0x2;
	[tilespmem:s12+$0x0] =	vst v2  }
0x19: {  	s13 =	sadd.s32 $0x40, s13;
	v2 =	vld [tilespmem:s14+$0x0];
	[tilespmem:s12+$0x1000] =	vst v3;
	s12 =	smov.u32 s14  }
0x1a: {  	v3 =	vld [tilespmem:s12+$0x1000];
	_ =	sdelay $0x3  }
0x1b: {  	v2 =	vadd.f32 v2, v2  }
0x1c: {  	v3 =	vadd.f32 v3, v3  }
0x1d: {  	[tilespmem:s12+$0x0] =	vst v2  }
0x1e: {  	[tilespmem:s12+$0x1000] =	vst v3;
	s12 =	simm.s32 $0x0  }
.LBB2_4:
0x1f: {  	s13 =	sshll.u32 s12, $0x2  }
0x20: {  	s13 =	sadd.s32 s5, s13  }
0x21: {  	v2 =	vmov s13;
	s14 =	sor.u32 $0x1, s13;
	s29 =	sor.u32 $0x2, s13;
	s13 =	sor.u32 $0x3, s13  }
0x22: {  	v2 =	vand.u32 $0xFFFFFFFC, v2;
	v6 =	vmov s13  }
0x23: {  	v3 =	vmov s14;
	v2 =	vbroadcast v2, $0x0  }
0x24: {  	v3 =	vand.u32 $0xFFFFFFFD, v3  }
0x25: {  	v4 =	vmov s29;
	v3 =	vbroadcast v3, $0x0  }
0x26: {  	v4 =	vand.u32 $0xFFFFFFFE, v4  }
0x27: {  	v4 =	vbroadcast v4, $0x0;
	v12 =	vld.idx.msk [tilespmem:v6+s2+$0x0], $0xffff  }
0x28: {  	v13 =	vld.idx.msk [tilespmem:v6+s9+$0x0], $0xffff  }
0x29: {  	v5 =	vld.idx.msk [tilespmem:v2+s2+$0x0], $0xffff  }
0x2a: {  	v2 =	vld.idx.msk [tilespmem:v2+s9+$0x0], $0xffff  }
0x2b: {  	v7 =	vld.idx.msk [tilespmem:v3+s2+$0x0], $0xffff  }
0x2c: {  	v3 =	vld.idx.msk [tilespmem:v3+s9+$0x0], $0xffff  }
0x2d: {  	s15 =	sshll.u32 s12, $0x8;
	v9 =	vld.idx.msk [tilespmem:v4+s2+$0x0], $0xffff  }
0x2e: {  	v10 =	vld.idx.msk [tilespmem:v4+s9+$0x0], $0xffff;
	[tilespmem:s15+$0x2000] =	vst v0  }
0x2f: {  	[tilespmem:s15+$0x2010] =	vst v0  }
0x30: {  	[tilespmem:s15+$0x2020] =	vst v0  }
0x31: {  	[tilespmem:s15+$0x2030] =	vst v0  }
0x32: {  	[tilespmem:s15+$0x2040] =	vst v0  }
0x33: {  	[tilespmem:s15+$0x2050] =	vst v0  }
0x34: {  	[tilespmem:s15+$0x2060] =	vst v0  }
0x35: {  	[tilespmem:s15+$0x2070] =	vst v0  }
0x36: {  	[tilespmem:s15+$0x2080] =	vst v0  }
0x37: {  	[tilespmem:s15+$0x2090] =	vst v0  }
0x38: {  	[tilespmem:s15+$0x20A0] =	vst v0  }
0x39: {  	[tilespmem:s15+$0x20B0] =	vst v0  }
0x3a: {  	[tilespmem:s15+$0x20C0] =	vst v0  }
0x3b: {  	[tilespmem:s15+$0x20D0] =	vst v0  }
0x3c: {  	[tilespmem:s15+$0x20E0] =	vst v0  }
0x3d: {  	s30 =	simm.s32 $0x1010;
	[tilespmem:s15+$0x20F0] =	vst v0  }
0x3e: {  	s13 =	simm.s32 $0x10;
	v14 =	vld [tilespmem:s30+$0x0]  }
0x3f: {  	v15 =	vld [tilespmem:s13+$0x0]  }
0x40: {  	v22 =	vld [tilespmem:s13+$0xFFFFFFF0]  }
0x41: {  	v26 =	vld [tilespmem:s30+$0xFFFFFFF0];
	v12 =	vadd.f32 $-4.000000000e+00, v12;
	v13 =	vadd.f32 $-4.000000000e+00, v13  }
0x42: {  	v4 =	vadd.f32 $-4.000000000e+00, v5;
	v5 =	vadd.f32 $-4.000000000e+00, v2  }
0x43: {  	v6 =	vadd.f32 $-4.000000000e+00, v7;
	v8 =	vadd.f32 $-4.000000000e+00, v3  }
0x44: {  	v9 =	vadd.f32 $-4.000000000e+00, v9;
	v11 =	vadd.f32 $-4.000000000e+00, v10  }
0x45: {  	s16 =	sor.u32 $0x40, s15;
	v16 =	vsub.f32 v14, v5;
	v19 =	vsub.f32 v15, v4  }
0x46: {  	s31 =	sor.u32 $0x80, s15;
	v2 =	vmov s16;
	v23 =	vsub.f32 v22, v4;
	v62 =	vsub.f32 v26, v13  }
0x47: {  	v3 =	vmov s31;
	v17 =	vsub.f32 v14, v8;
	v18 =	vsub.f32 v14, v11  }
0x48: {  	v10 =	vmov s15;
	s15 =	sor.u32 $0xC0, s15;
	v14 =	vsub.f32 v14, v13;
	v20 =	vsub.f32 v15, v6  }
0x49: {  	v7 =	vmov s15;
	v21 =	vsub.f32 v15, v9;
	v15 =	vsub.f32 v15, v12  }
0x4a: {  	v16 =	vmax.f32 v16, $0.0e+00;
	v19 =	vmax.f32 v19, $0.0e+00;
	v17 =	vmax.f32 v17, $0.0e+00  }
0x4b: {  	v18 =	vmax.f32 v18, $0.0e+00;
	v14 =	vmax.f32 v14, $0.0e+00;
	v20 =	vmax.f32 v20, $0.0e+00  }
0x4c: {  	v21 =	vmax.f32 v21, $0.0e+00;
	v15 =	vmax.f32 v15, $0.0e+00;
	v16 =	vmin.f32 v16, $7.000000000e+00  }
0x4d: {  	v19 =	vmin.f32 v19, $7.000000000e+00;
	v17 =	vmin.f32 v17, $7.000000000e+00;
	v18 =	vmin.f32 v18, $7.000000000e+00  }
0x4e: {  	v16 =	vtrunc.f32 v16;
	v14 =	vmin.f32 v14, $7.000000000e+00;
	v19 =	vtrunc.f32 v19  }
0x4f: {  	v20 =	vmin.f32 v20, $7.000000000e+00;
	v17 =	vtrunc.f32 v17;
	v18 =	vtrunc.f32 v18  }
0x50: {  	v21 =	vmin.f32 v21, $7.000000000e+00;
	v14 =	vtrunc.f32 v14;
	v20 =	vtrunc.f32 v20  }
0x51: {  	v15 =	vmin.f32 v15, $7.000000000e+00;
	v21 =	vtrunc.f32 v21;
	v16 =	vcvt.f32.s32 v16  }
0x52: {  	v24 =	vsub.f32 v22, v6;
	v15 =	vtrunc.f32 v15;
	v19 =	vcvt.f32.s32 v19  }
0x53: {  	v25 =	vsub.f32 v22, v9;
	v17 =	vcvt.f32.s32 v17;
	v20 =	vcvt.f32.s32 v20  }
0x54: {  	v61 =	vsub.f32 v26, v11;
	v18 =	vcvt.f32.s32 v18;
	v15 =	vcvt.f32.s32 v15  }
0x55: {  	v21 =	vcvt.f32.s32 v21;
	v14 =	vcvt.f32.s32 v14;
	v19 =	vshll.u32 v19, $0x3  }
0x56: {  	v19 =	vadd.s32 v10, v19;
	v20 =	vshll.u32 v20, $0x3;
	v15 =	vshll.u32 v15, $0x3  }
0x57: {  	v16 =	vadd.s32 v16, v19;
	v19 =	vadd.s32 v2, v20;
	v20 =	vshll.u32 v21, $0x3  }
0x58: {  	v15 =	vadd.s32 v7, v15;
	v21 =	vmax.f32 v24, $0.0e+00;
	v24 =	vmax.f32 v61, $0.0e+00  }
0x59: {  	v17 =	vadd.s32 v17, v19;
	v19 =	vadd.s32 v3, v20;
	v20 =	vsub.f32 v22, v12  }
0x5a: {  	v22 =	vadd.s32 v14, v15;
	v14 =	vsub.f32 v26, v5;
	v15 =	vmax.f32 v25, $0.0e+00  }
0x5b: {  	v21 =	vmin.f32 v21, $7.000000000e+00;
	v25 =	vmax.f32 v62, $0.0e+00;
	v18 =	vadd.s32 v18, v19  }
0x5c: {  	v19 =	vmax.f32 v23, $0.0e+00;
	v23 =	vsub.f32 v26, v8;
	v15 =	vmin.f32 v15, $7.000000000e+00  }
0x5d: {  	v21 =	vtrunc.f32 v21;
	v20 =	vmax.f32 v20, $0.0e+00;
	v19 =	vmin.f32 v19, $7.000000000e+00  }
0x5e: {  	v14 =	vmax.f32 v14, $0.0e+00;
	v63 =	vtrunc.f32 v15;
	v15 =	vcvt.f32.s32 v21  }
0x5f: {  	v21 =	vmin.f32 v24, $7.000000000e+00;
	v19 =	vtrunc.f32 v19;
	v20 =	vmin.f32 v20, $7.000000000e+00;
	[tilespmem:v16+s10+$0x0] =	vst.idx.add.f32.msk $0xffff, v1  }
0x60: {  	v23 =	vmax.f32 v23, $0.0e+00;
	v27 =	vmin.f32 v14, $7.000000000e+00;
	v20 =	vtrunc.f32 v20;
	[tilespmem:v17+s10+$0x0] =	vst.idx.add.f32.msk $0xffff, v1  }
0x61: {  	v16 =	vcvt.f32.s32 v19;
	v19 =	vmin.f32 v23, $7.000000000e+00;
	v17 =	vcvt.f32.s32 v63;
	[tilespmem:v18+s10+$0x0] =	vst.idx.add.f32.msk $0xffff, v1  }
0x62: {  	s14 =	simm.s32 $0x0;
	s15 =	simm.s32 $0x1030;
	v14 =	vcvt.f32.s32 v20;
	v20 =	vmin.f32 v25, $7.000000000e+00;
	v18 =	vtrunc.f32 v27;
	[tilespmem:v22+s10+$0x0] =	vst.idx.add.f32.msk $0xffff, v1  }
.LBB2_5:
0x63: {  	v22 =	vld [tilespmem:s15+$0x0];
	v16 =	vshll.u32 v16, $0x3;
	v19 =	vtrunc.f32 v19;
	v21 =	vtrunc.f32 v21  }
0x64: {  	v15 =	vshll.u32 v15, $0x3;
	v17 =	vshll.u32 v17, $0x3;
	v20 =	vtrunc.f32 v20;
	s13 =	sadd.s32 $0x20, s13;
	v23 =	vld [tilespmem:s15+$0xFFFFFFF0]  }
0x65: {  	v18 =	vcvt.f32.s32 v18;
	v14 =	vshll.u32 v14, $0x3;
	v19 =	vcvt.f32.s32 v19;
	v24 =	vld [tilespmem:s13+$0x0]  }
0x66: {  	v16 =	vadd.s32 v10, v16;
	v21 =	vcvt.f32.s32 v21;
	v20 =	vcvt.f32.s32 v20;
	v25 =	vld [tilespmem:s13+$0xFFFFFFF0]  }
0x67: {  	v15 =	vadd.s32 v2, v15;
	v17 =	vadd.s32 v3, v17;
	v14 =	vadd.s32 v7, v14  }
0x68: {  	v16 =	vadd.s32 v18, v16;
	v15 =	vadd.s32 v19, v15;
	v26 =	vsub.f32 v22, v5  }
0x69: {  	v17 =	vadd.s32 v21, v17;
	v18 =	vsub.f32 v22, v8;
	v19 =	vsub.f32 v22, v11  }
0x6a: {  	v14 =	vadd.s32 v20, v14;
	v22 =	vsub.f32 v22, v13;
	v21 =	vsub.f32 v24, v4  }
0x6b: {  	v20 =	vsub.f32 v24, v6;
	v27 =	vsub.f32 v24, v9  }
0x6c: {  	v26 =	vmax.f32 v26, $0.0e+00;
	v18 =	vmax.f32 v18, $0.0e+00;
	v24 =	vsub.f32 v24, v12  }
0x6d: {  	v19 =	vmax.f32 v19, $0.0e+00;
	v22 =	vmax.f32 v22, $0.0e+00;
	v21 =	vmax.f32 v21, $0.0e+00;
	[tilespmem:v16+s10+$0x0] =	vst.idx.add.f32.msk $0xffff, v1  }
0x6e: {  	s14 =	sadd.s32 $0x2, s14;
	v24 =	vmax.f32 v24, $0.0e+00;
	v16 =	vmax.f32 v20, $0.0e+00;
	v20 =	vmax.f32 v27, $0.0e+00;
	[tilespmem:v15+s10+$0x0] =	vst.idx.add.f32.msk $0xffff, v1  }
0x6f: {  	p0 =	slt.u32 s14, $0xFE;
	v18 =	vmin.f32 v18, $7.000000000e+00;
	v19 =	vmin.f32 v19, $7.000000000e+00;
	v15 =	vmin.f32 v26, $7.000000000e+00;
	[tilespmem:v17+s10+$0x0] =	vst.idx.add.f32.msk $0xffff, v1  }
0x70: {  	v17 =	vmin.f32 v21, $7.000000000e+00;
	v15 =	vtrunc.f32 v15;
	v21 =	vmin.f32 v22, $7.000000000e+00;
	[tilespmem:v14+s10+$0x0] =	vst.idx.add.f32.msk $0xffff, v1  }
0x71: {  	v14 =	vmin.f32 v16, $7.000000000e+00;
	v16 =	vtrunc.f32 v18;
	v18 =	vtrunc.f32 v19  }
0x72: {  	v17 =	vtrunc.f32 v17;
	v19 =	vmin.f32 v20, $7.000000000e+00;
	v20 =	vtrunc.f32 v21  }
0x73: {  	v21 =	vmin.f32 v24, $7.000000000e+00;
	v14 =	vtrunc.f32 v14;
	v19 =	vtrunc.f32 v19  }
0x74: {  	v22 =	vsub.f32 v25, v4;
	v15 =	vcvt.f32.s32 v15;
	v21 =	vtrunc.f32 v21  }
0x75: {  	v24 =	vsub.f32 v25, v6;
	v17 =	vcvt.f32.s32 v17;
	v16 =	vcvt.f32.s32 v16  }
0x76: {  	v26 =	vsub.f32 v25, v9;
	v18 =	vcvt.f32.s32 v18;
	v14 =	vcvt.f32.s32 v14  }
0x77: {  	v20 =	vcvt.f32.s32 v20;
	v19 =	vcvt.f32.s32 v19;
	v17 =	vshll.u32 v17, $0x3  }
0x78: {  	v21 =	vcvt.f32.s32 v21;
	v17 =	vadd.s32 v10, v17;
	v14 =	vshll.u32 v14, $0x3  }
0x79: {  	v15 =	vadd.s32 v15, v17;
	v14 =	vadd.s32 v2, v14;
	v17 =	vshll.u32 v19, $0x3  }
0x7a: {  	v14 =	vadd.s32 v16, v14;
	v16 =	vadd.s32 v3, v17;
	v17 =	vshll.u32 v21, $0x3  }
0x7b: {  	v19 =	vsub.f32 v25, v12;
	v16 =	vadd.s32 v18, v16;
	v17 =	vadd.s32 v7, v17  }
0x7c: {  	v21 =	vmax.f32 v24, $0.0e+00;
	v18 =	vmax.f32 v22, $0.0e+00;
	v17 =	vadd.s32 v20, v17  }
0x7d: {  	v22 =	vmax.f32 v26, $0.0e+00;
	v19 =	vmax.f32 v19, $0.0e+00;
	v20 =	vsub.f32 v23, v5  }
0x7e: {  	v25 =	vsub.f32 v23, v11;
	v24 =	vsub.f32 v23, v8;
	v18 =	vmin.f32 v18, $7.000000000e+00;
	[tilespmem:v15+s10+$0x0] =	vst.idx.add.f32.msk $0xffff, v1  }
0x7f: {  	v15 =	vmin.f32 v21, $7.000000000e+00;
	v21 =	vmin.f32 v22, $7.000000000e+00;
	v22 =	vsub.f32 v23, v13;
	[tilespmem:v14+s10+$0x0] =	vst.idx.add.f32.msk $0xffff, v1  }
0x80: {  	v14 =	vtrunc.f32 v18;
	v15 =	vtrunc.f32 v15;
	v18 =	vmin.f32 v19, $7.000000000e+00;
	[tilespmem:v16+s10+$0x0] =	vst.idx.add.f32.msk $0xffff, v1  }
.Ltmp1:
0x81: {  	v19 =	vmax.f32 v20, $0.0e+00;
	v20 =	vtrunc.f32 v21;
	v18 =	vtrunc.f32 v18;
	[tilespmem:v17+s10+$0x0] =	vst.idx.add.f32.msk $0xffff, v1;
	(pc) =	sbr.rel @p0 .LBB2_5-.Ltmp1, $4  }
0x82: {  	v21 =	vmax.f32 v25, $0.0e+00;
	v22 =	vmax.f32 v22, $0.0e+00;
	v17 =	vmax.f32 v24, $0.0e+00  }
0x83: {  	v16 =	vcvt.f32.s32 v14;
	v23 =	vmin.f32 v19, $7.000000000e+00;
	v15 =	vcvt.f32.s32 v15  }
0x84: {  	v14 =	vcvt.f32.s32 v18;
	v19 =	vmin.f32 v17, $7.000000000e+00;
	v17 =	vcvt.f32.s32 v20  }
0x85: {  	s15 =	sadd.s32 $0x20, s15;
	v21 =	vmin.f32 v21, $7.000000000e+00;
	v18 =	vtrunc.f32 v23;
	v20 =	vmin.f32 v22, $7.000000000e+00  }
0x86: {  	v4 =	vshll.u32 v16, $0x3  }
0x87: {  	v5 =	vtrunc.f32 v19;
	v6 =	vtrunc.f32 v21;
	v8 =	vshll.u32 v15, $0x3  }
0x88: {  	v9 =	vshll.u32 v17, $0x3;
	v11 =	vtrunc.f32 v20;
	v12 =	vcvt.f32.s32 v18  }
0x89: {  	v13 =	vshll.u32 v14, $0x3;
	v5 =	vcvt.f32.s32 v5;
	v4 =	vadd.s32 v10, v4  }
0x8a: {  	v6 =	vcvt.f32.s32 v6;
	v2 =	vadd.s32 v2, v8;
	v4 =	vadd.s32 v12, v4  }
0x8b: {  	v62 =	vcvt.f32.s32 v11;
	v3 =	vadd.s32 v3, v9;
	v2 =	vadd.s32 v5, v2  }
0x8c: {  	s12 =	sadd.s32 $0x1, s12;
	v63 =	vadd.s32 v7, v13;
	v3 =	vadd.s32 v6, v3  }
0x8d: {  	p0 =	sne.s32 s12, $0x20;
	v5 =	vadd.s32 v62, v63  }
.Ltmp2:
0x8e: {  	_ = 	snop;
	(pc) =	sbr.rel @p0 .LBB2_4-.Ltmp2, $4  }
0x8f: {  	[tilespmem:v4+s10+$0x0] =	vst.idx.add.f32.msk $0xffff, v1  }
0x90: {  	[tilespmem:v2+s10+$0x0] =	vst.idx.add.f32.msk $0xffff, v1  }
0x91: {  	[tilespmem:v3+s10+$0x0] =	vst.idx.add.f32.msk $0xffff, v1  }
0x92: {  	[tilespmem:v5+s10+$0x0] =	vst.idx.add.f32.msk $0xffff, v1  }
0x93: {  	s11 =	sadd.s32 $0x1, s11  }
0x94: {  	p0 =	sne.s32 s11, s7  }
.Ltmp3:
0x95: {  	_ = 	snop;
	(pc) =	sbr.rel @p0 .LBB2_1-.Ltmp3, $4  }
0x96: {  	[hbm4b:s6+s2] =	stream.linear.scatter [tilespmem:s10], [sflag:$0x1], $0x2000, $0x38;
	[tilespmem:$0x4000] =	vst v63  }
0x97: {  	_ =	swait.ge [sflag:s8], $0x2000  }
0x98: {  	[sflag:s8] =	ssyncset.done $0x0  }
0x99: {  	[sflag:s8] =	ssyncadd.s32 $0xFFFFE000  }
0x9a: {  	_ =	sfence.sel $0x180000  }
0x9b: {  	[bflag:$0x0] =	sbarrier.arrive $0xFFFF  }
0x9c: {  	p0 =	sne.s32 s1, $0x0;
	_ =	strace $0x90000047  }
0x9d: {  	s0 =	sadd.s32 @!p0 $0x100000, s0;
	[bflag:$0x2] =	sbarrier.arrive $0xFFFF  }
0x9e: {  	[sflag:s0] =	ssyncadd.tile.s32 @!p0 $0x1;
	_ =	shalt  }
.Lfunc_end2:
_tile_overlayer_lowered:
.L_overlay_start_2:
0x9f: {  	(tag) =	ssettag $0x2  }
0xa0: {  	s0 =	rddreg [dreg:$0x0];
	s2 =	stileid.u32  }
0xa1: {  	s1 =	rddreg [dreg:$0x1];
	p0 =	sne.s32 s2, $0x0  }
0xa2: {  	s3 =	rddreg [dreg:$0x2];
	[bflag:$0x3] =	sbarrier.arrive $0xFFFF;
	s2 =	simm.s32 @!p0 $0x1C01  }
0xa3: {  	[timem:s3], [sflag:s2] =	dma.local @!p0 [hbm:s0], s1  }
0xa4: {  	s0 =	simm.s32 @!p0 $0x1  }
0xa5: {  	_ =	swait.ge @!p0 [sflag:s0], s1  }
0xa6: {  	s1 =	ssub.s32 @!p0 $0x0, s1;
	[sflag:s0] =	ssyncset.done @!p0 $0x0  }
0xa7: {  	[sflag:s0] =	ssyncadd.s32 @!p0 s1  }
0xa8: {  	[bflag:$0x3] =	sbarrier.arrive $0xFFFF  }
0xa9: {  	_ =	shalt  }

</sc_bundles>
